<compile_context>
chip_gen: v7x
topology: tpu7x:2x2x1
jax: 0.10.2.dev20260603
libtpu: 0.0.44.dev20260713+nightly
codegen_flags: <defaults>
</compile_context>

<pallas_src>
import functools

import jax
import jax.numpy as jnp
from jax import lax
from jax.experimental import pallas as pl
from jax.experimental.pallas import tpu as pltpu, tpu_sc as plsc

_R, _C = 1024, 8192
_TCR = 896
_BC = 2048
_SUB = 128
_K = _BC // _SUB

_NC = 2
_NW = 32
_SCR = _R - _TCR
_RPW = _SCR // _NW
_L = 16
_CH = _C // _L

_mesh = plsc.VectorSubcoreMesh(core_axis_name="c", subcore_axis_name="s")


def _tc_body(x_ref, m_ref, o_ref, carry_ref):
    c = pl.program_id(0)

    @pl.when(c == 0)
    def _():
        carry_ref[...] = jnp.zeros_like(carry_ref)

    t = x_ref[...]
    m = m_ref[...]
    off = carry_ref[...]
    for i in range(_K):
        sub = t[:, i * _SUB:(i + 1) * _SUB]
        r = jax.lax.dot(
            sub, m,
            precision=jax.lax.Precision.DEFAULT,
            preferred_element_type=jnp.float32,
        )
        o_ref[:, i * _SUB:(i + 1) * _SUB] = r[:, :_SUB] + off
        off = off + r[:, _SUB:]
    carry_ref[...] = off


def _tc_cumsum(x, m):
    return pl.pallas_call(
        _tc_body,
        grid=(_C // _BC,),
        in_specs=[
            pl.BlockSpec((_TCR, _BC), lambda c: (0, c)),
            pl.BlockSpec((_SUB, 2 * _SUB), lambda c: (0, 0)),
        ],
        out_specs=pl.BlockSpec((_TCR, _BC), lambda c: (0, c)),
        out_shape=jax.ShapeDtypeStruct((_R, _C), jnp.float32),
        scratch_shapes=[pltpu.VMEM((_TCR, _SUB), jnp.float32)],
        compiler_params=pltpu.CompilerParams(
            dimension_semantics=("arbitrary",),
        ),
    )(x, m)


@functools.partial(
    pl.kernel,
    mesh=_mesh,
    out_type=jax.ShapeDtypeStruct((_SCR, _C), jnp.float32),
    scratch_types=[pltpu.VMEM((_RPW, _C), jnp.float32)],
    compiler_params=pltpu.CompilerParams(needs_layout_passes=False),
)
def _sc_cumsum(x_hbm, out_hbm, rows_v):
    wid = lax.axis_index("s") * _NC + lax.axis_index("c")
    base = _TCR + wid * _RPW
    pltpu.sync_copy(x_hbm.at[pl.ds(base, _RPW)], rows_v)

    def chunk(i, carry):
        new = []
        for r in range(_RPW):
            v = rows_v[r, pl.ds(i * _L, _L)]
            rows_v[r, pl.ds(i * _L, _L)] = plsc.cumsum(v) + carry[r]
            new.append(carry[r] + jnp.sum(v))
        return tuple(new)

    lax.fori_loop(0, _CH, chunk, (jnp.float32(0),) * _RPW)
    pltpu.sync_copy(rows_v, out_hbm.at[pl.ds(base - _TCR, _RPW)])


@jax.jit
def kernel(x):
    m = jnp.concatenate(
        [jnp.triu(jnp.ones((_SUB, _SUB), jnp.float32)),
         jnp.ones((_SUB, _SUB), jnp.float32)], axis=1)
    top = _tc_cumsum(x, m)
    bot = _sc_cumsum(x)
    return lax.dynamic_update_slice(top, bot, (_TCR, 0))

# --- scband reference (transcript-rebuilt; emitter-appended) ---
"""Pipeline reference for scband-model-new-73315091743888 (READ-ONLY COPY).

The authoritative reference and input builder live on the scoring server;
editing this copy changes nothing except your own understanding.
"""

import jax, jax.numpy as jnp
import numpy as np


def setup_inputs(seed: int = 0) -> dict:
    key = jax.random.key(seed)
    x = jax.random.normal(key, (1024, 8192), dtype=jnp.float32)
    return {"x": x}


def reference(x):
    # The custom CUDA kernel, despite its 'exclusive_cumsum' name, performs an
    # INCLUSIVE prefix sum along dim=1: each segment does an in-place inclusive
    # scan, segment totals are scanned, and the preceding-segment total is added
    # back to every element (no shift is ever applied). The `dim` argument is
    # ignored by the kernel (it is hard-coded to the last/second dimension of a
    # 2D input). Faithful translation: inclusive cumsum over axis 1.
    return jnp.cumsum(x, axis=1)

if __name__ == "__main__":
    import jax
    _d = setup_inputs()
    print(jax.jit(kernel)(*tuple(_d.values())))

</pallas_src>

<mosaic_0001>
#map = affine_map<(d0, d1) -> (0, 0)>
module attributes {stable_mosaic.version = 14 : i64} {
  func.func @_sc_cumsum(%arg0: i32, %arg1: i32, %arg2: memref<1024x8192xf32, #tpu.memory_space<hbm>>, %arg3: memref<128x8192xf32, #tpu.memory_space<hbm>>, %arg4: memref<4x8192xf32, #tpu.memory_space<vmem>>) attributes {dimension_semantics = [#tpu.dimension_semantics<core_parallel>, #tpu.dimension_semantics<subcore_parallel>], iteration_bounds = array<i64: 2, 16>, scalar_prefetch = 0 : i64, scratch_operands = 1 : i64, tpu.core_type = #tpu.core_type<sc_vector_subcore>, window_params = [{transform_indices = #map}, {transform_indices = #map}]} {
    %mul3A = arith.constant 2 : i32
    %mul3A_0 = arith.muli %arg1, %mul3A : i32
    %add3A = arith.addi %mul3A_0, %arg0 : i32
    %mul3A_1 = arith.constant 4 : i32
    %mul3A_2 = arith.muli %add3A, %mul3A_1 : i32
    %add3A_3 = arith.constant 896 : i32
    %add3A_4 = arith.addi %add3A_3, %mul3A_2 : i32
    "tpu.region"() ({
      %run_scoped3A = tpu.sem_alloc : memref<!tpu.dma_semaphore, #tpu.memory_space<semaphore_mem>>
      %dma_start3A = arith.constant 0 : i32
      %dma_start3A_15 = tpu.memref_slice %arg2[%add3A_4, %dma_start3A] : memref<1024x8192xf32, #tpu.memory_space<hbm>> -> memref<4x8192xf32, #tpu.memory_space<hbm>>
      %dma_start3A_16 = arith.constant 0 : i32
      %dma_start3A_17 = tpu.memref_slice %arg2[%add3A_4, %dma_start3A_16] : memref<1024x8192xf32, #tpu.memory_space<hbm>> -> memref<4x8192xf32, #tpu.memory_space<hbm>>
      tpu.enqueue_dma source(%dma_start3A_17 : memref<4x8192xf32, #tpu.memory_space<hbm>>) target(%arg4 : memref<4x8192xf32, #tpu.memory_space<vmem>>) target_semaphore(%run_scoped3A : memref<!tpu.dma_semaphore, #tpu.memory_space<semaphore_mem>>)
      %dma_wait3A = arith.constant 0 : i32
      %dma_wait3A_18 = tpu.memref_slice %arg2[%add3A_4, %dma_wait3A] : memref<1024x8192xf32, #tpu.memory_space<hbm>> -> memref<4x8192xf32, #tpu.memory_space<hbm>>
      %dma_wait3A_19 = arith.constant 0 : i32
      %dma_wait3A_20 = tpu.memref_slice %arg2[%add3A_4, %dma_wait3A_19] : memref<1024x8192xf32, #tpu.memory_space<hbm>> -> memref<4x8192xf32, #tpu.memory_space<hbm>>
      tpu.wait_dma2 semaphore(%run_scoped3A : memref<!tpu.dma_semaphore, #tpu.memory_space<semaphore_mem>>) src(%dma_wait3A_20 : memref<4x8192xf32, #tpu.memory_space<hbm>>) dst(%arg4 : memref<4x8192xf32, #tpu.memory_space<vmem>>)
      tpu.yield
    }) : () -> ()
    %scan3A = arith.constant 0.000000e+00 : f32
    %scan3A_5 = arith.constant 0.000000e+00 : f32
    %scan3A_6 = arith.constant 0.000000e+00 : f32
    %scan3A_7 = arith.constant 0.000000e+00 : f32
    %scan3A_8 = arith.constant 0 : i32
    %scan3A_9 = arith.constant 512 : i32
    %scan3A_10 = arith.addi %scan3A_8, %scan3A_9 : i32
    %scan3A_11 = arith.constant 1 : i32
    %scan3A_12:4 = scf.for %scan3A_15 = %scan3A_8 to %scan3A_10 step %scan3A_11 iter_args(%scan3A_16 = %scan3A, %scan3A_17 = %scan3A_5, %scan3A_18 = %scan3A_6, %scan3A_19 = %scan3A_7) -> (f32, f32, f32, f32)  : i32 {
      %mul3A_20 = arith.constant 16 : i32
      %mul3A_21 = arith.muli %scan3A_15, %mul3A_20 : i32
      %get3A = arith.constant 0 : i32
      %get3A_22 = arith.index_cast %get3A : i32 to index
      %get3A_23 = arith.index_cast %mul3A_21 : i32 to index
      %get3A_24 = tpu.vector_load %arg4[%get3A_22, %get3A_23] {strides = array<i32>} : memref<4x8192xf32, #tpu.memory_space<vmem>>, vector<16xf32>,
      %broadcast_in_dim3A = arith.constant true
      %broadcast_in_dim3A_25 = vector.broadcast %broadcast_in_dim3A : i1 to vector<16xi1>
      %masked_cumsum3A = tpu.scan <sum>, %get3A_24 masked %broadcast_in_dim3A_25 : vector<16xf32>, vector<16xi1> -> vector<16xf32>
      %add3A_26 = vector.broadcast %scan3A_16 : f32 to vector<16xf32>
      %add3A_27 = arith.addf %masked_cumsum3A, %add3A_26 : vector<16xf32>
      %mul3A_28 = arith.constant 16 : i32
      %mul3A_29 = arith.muli %scan3A_15, %mul3A_28 : i32
      %swap3A = arith.constant 0 : i32
      %swap3A_30 = arith.index_cast %swap3A : i32 to index
      %swap3A_31 = arith.index_cast %mul3A_29 : i32 to index
      %swap3A_32 = tpu.vector_load %arg4[%swap3A_30, %swap3A_31] {strides = array<i32>} : memref<4x8192xf32, #tpu.memory_space<vmem>>, vector<16xf32>,
      tpu.vector_store %arg4[%swap3A_30, %swap3A_31], %add3A_27 {strides = array<i32>} : memref<4x8192xf32, #tpu.memory_space<vmem>>, vector<16xf32>,
      %reduce_sum3A = arith.constant true
      %reduce_sum3A_33 = vector.broadcast %reduce_sum3A : i1 to vector<16xi1>
      %reduce_sum3A_34 = tpu.scan <sum>, %get3A_24 masked %reduce_sum3A_33 : vector<16xf32>, vector<16xi1> -> vector<16xf32>
      %reduce_sum3A_35 = vector.extract %reduce_sum3A_34[15] : f32 from vector<16xf32>
      %add3A_36 = arith.addf %scan3A_16, %reduce_sum3A_35 : f32
      %mul3A_37 = arith.constant 16 : i32
      %mul3A_38 = arith.muli %scan3A_15, %mul3A_37 : i32
      %get3A_39 = arith.constant 1 : i32
      %get3A_40 = arith.index_cast %get3A_39 : i32 to index
      %get3A_41 = arith.index_cast %mul3A_38 : i32 to index
      %get3A_42 = tpu.vector_load %arg4[%get3A_40, %get3A_41] {strides = array<i32>} : memref<4x8192xf32, #tpu.memory_space<vmem>>, vector<16xf32>,
      %broadcast_in_dim3A_43 = arith.constant true
      %broadcast_in_dim3A_44 = vector.broadcast %broadcast_in_dim3A_43 : i1 to vector<16xi1>
      %masked_cumsum3A_45 = tpu.scan <sum>, %get3A_42 masked %broadcast_in_dim3A_44 : vector<16xf32>, vector<16xi1> -> vector<16xf32>
      %add3A_46 = vector.broadcast %scan3A_17 : f32 to vector<16xf32>
      %add3A_47 = arith.addf %masked_cumsum3A_45, %add3A_46 : vector<16xf32>
      %mul3A_48 = arith.constant 16 : i32
      %mul3A_49 = arith.muli %scan3A_15, %mul3A_48 : i32
      %swap3A_50 = arith.constant 1 : i32
      %swap3A_51 = arith.index_cast %swap3A_50 : i32 to index
      %swap3A_52 = arith.index_cast %mul3A_49 : i32 to index
      %swap3A_53 = tpu.vector_load %arg4[%swap3A_51, %swap3A_52] {strides = array<i32>} : memref<4x8192xf32, #tpu.memory_space<vmem>>, vector<16xf32>,
      tpu.vector_store %arg4[%swap3A_51, %swap3A_52], %add3A_47 {strides = array<i32>} : memref<4x8192xf32, #tpu.memory_space<vmem>>, vector<16xf32>,
      %reduce_sum3A_54 = arith.constant true
      %reduce_sum3A_55 = vector.broadcast %reduce_sum3A_54 : i1 to vector<16xi1>
      %reduce_sum3A_56 = tpu.scan <sum>, %get3A_42 masked %reduce_sum3A_55 : vector<16xf32>, vector<16xi1> -> vector<16xf32>
      %reduce_sum3A_57 = vector.extract %reduce_sum3A_56[15] : f32 from vector<16xf32>
      %add3A_58 = arith.addf %scan3A_17, %reduce_sum3A_57 : f32
      %mul3A_59 = arith.constant 16 : i32
      %mul3A_60 = arith.muli %scan3A_15, %mul3A_59 : i32
      %get3A_61 = arith.constant 2 : i32
      %get3A_62 = arith.index_cast %get3A_61 : i32 to index
      %get3A_63 = arith.index_cast %mul3A_60 : i32 to index
      %get3A_64 = tpu.vector_load %arg4[%get3A_62, %get3A_63] {strides = array<i32>} : memref<4x8192xf32, #tpu.memory_space<vmem>>, vector<16xf32>,
      %broadcast_in_dim3A_65 = arith.constant true
      %broadcast_in_dim3A_66 = vector.broadcast %broadcast_in_dim3A_65 : i1 to vector<16xi1>
      %masked_cumsum3A_67 = tpu.scan <sum>, %get3A_64 masked %broadcast_in_dim3A_66 : vector<16xf32>, vector<16xi1> -> vector<16xf32>
      %add3A_68 = vector.broadcast %scan3A_18 : f32 to vector<16xf32>
      %add3A_69 = arith.addf %masked_cumsum3A_67, %add3A_68 : vector<16xf32>
      %mul3A_70 = arith.constant 16 : i32
      %mul3A_71 = arith.muli %scan3A_15, %mul3A_70 : i32
      %swap3A_72 = arith.constant 2 : i32
      %swap3A_73 = arith.index_cast %swap3A_72 : i32 to index
      %swap3A_74 = arith.index_cast %mul3A_71 : i32 to index
      %swap3A_75 = tpu.vector_load %arg4[%swap3A_73, %swap3A_74] {strides = array<i32>} : memref<4x8192xf32, #tpu.memory_space<vmem>>, vector<16xf32>,
      tpu.vector_store %arg4[%swap3A_73, %swap3A_74], %add3A_69 {strides = array<i32>} : memref<4x8192xf32, #tpu.memory_space<vmem>>, vector<16xf32>,
      %reduce_sum3A_76 = arith.constant true
      %reduce_sum3A_77 = vector.broadcast %reduce_sum3A_76 : i1 to vector<16xi1>
      %reduce_sum3A_78 = tpu.scan <sum>, %get3A_64 masked %reduce_sum3A_77 : vector<16xf32>, vector<16xi1> -> vector<16xf32>
      %reduce_sum3A_79 = vector.extract %reduce_sum3A_78[15] : f32 from vector<16xf32>
      %add3A_80 = arith.addf %scan3A_18, %reduce_sum3A_79 : f32
      %mul3A_81 = arith.constant 16 : i32
      %mul3A_82 = arith.muli %scan3A_15, %mul3A_81 : i32
      %get3A_83 = arith.constant 3 : i32
      %get3A_84 = arith.index_cast %get3A_83 : i32 to index
      %get3A_85 = arith.index_cast %mul3A_82 : i32 to index
      %get3A_86 = tpu.vector_load %arg4[%get3A_84, %get3A_85] {strides = array<i32>} : memref<4x8192xf32, #tpu.memory_space<vmem>>, vector<16xf32>,
      %broadcast_in_dim3A_87 = arith.constant true
      %broadcast_in_dim3A_88 = vector.broadcast %broadcast_in_dim3A_87 : i1 to vector<16xi1>
      %masked_cumsum3A_89 = tpu.scan <sum>, %get3A_86 masked %broadcast_in_dim3A_88 : vector<16xf32>, vector<16xi1> -> vector<16xf32>
      %add3A_90 = vector.broadcast %scan3A_19 : f32 to vector<16xf32>
      %add3A_91 = arith.addf %masked_cumsum3A_89, %add3A_90 : vector<16xf32>
      %mul3A_92 = arith.constant 16 : i32
      %mul3A_93 = arith.muli %scan3A_15, %mul3A_92 : i32
      %swap3A_94 = arith.constant 3 : i32
      %swap3A_95 = arith.index_cast %swap3A_94 : i32 to index
      %swap3A_96 = arith.index_cast %mul3A_93 : i32 to index
      %swap3A_97 = tpu.vector_load %arg4[%swap3A_95, %swap3A_96] {strides = array<i32>} : memref<4x8192xf32, #tpu.memory_space<vmem>>, vector<16xf32>,
      tpu.vector_store %arg4[%swap3A_95, %swap3A_96], %add3A_91 {strides = array<i32>} : memref<4x8192xf32, #tpu.memory_space<vmem>>, vector<16xf32>,
      %reduce_sum3A_98 = arith.constant true
      %reduce_sum3A_99 = vector.broadcast %reduce_sum3A_98 : i1 to vector<16xi1>
      %reduce_sum3A_100 = tpu.scan <sum>, %get3A_86 masked %reduce_sum3A_99 : vector<16xf32>, vector<16xi1> -> vector<16xf32>
      %reduce_sum3A_101 = vector.extract %reduce_sum3A_100[15] : f32 from vector<16xf32>
      %add3A_102 = arith.addf %scan3A_19, %reduce_sum3A_101 : f32
      scf.yield %add3A_36, %add3A_58, %add3A_80, %add3A_102 : f32, f32, f32, f32
    }
    %scan3A_13 = arith.constant 512 : i32
    %sub3A = arith.constant 896 : i32
    %sub3A_14 = arith.subi %add3A_4, %sub3A : i32
    "tpu.region"() ({
      %run_scoped3A = tpu.sem_alloc : memref<!tpu.dma_semaphore, #tpu.memory_space<semaphore_mem>>
      %dma_start3A = arith.constant 0 : i32
      %dma_start3A_15 = tpu.memref_slice %arg3[%sub3A_14, %dma_start3A] : memref<128x8192xf32, #tpu.memory_space<hbm>> -> memref<4x8192xf32, #tpu.memory_space<hbm>>
      %dma_start3A_16 = arith.constant 0 : i32
      %dma_start3A_17 = tpu.memref_slice %arg3[%sub3A_14, %dma_start3A_16] : memref<128x8192xf32, #tpu.memory_space<hbm>> -> memref<4x8192xf32, #tpu.memory_space<hbm>>
      tpu.enqueue_dma source(%arg4 : memref<4x8192xf32, #tpu.memory_space<vmem>>) target(%dma_start3A_17 : memref<4x8192xf32, #tpu.memory_space<hbm>>) target_semaphore(%run_scoped3A : memref<!tpu.dma_semaphore, #tpu.memory_space<semaphore_mem>>)
      %dma_wait3A = arith.constant 0 : i32
      %dma_wait3A_18 = tpu.memref_slice %arg3[%sub3A_14, %dma_wait3A] : memref<128x8192xf32, #tpu.memory_space<hbm>> -> memref<4x8192xf32, #tpu.memory_space<hbm>>
      %dma_wait3A_19 = arith.constant 0 : i32
      %dma_wait3A_20 = tpu.memref_slice %arg3[%sub3A_14, %dma_wait3A_19] : memref<128x8192xf32, #tpu.memory_space<hbm>> -> memref<4x8192xf32, #tpu.memory_space<hbm>>
      tpu.wait_dma2 semaphore(%run_scoped3A : memref<!tpu.dma_semaphore, #tpu.memory_space<semaphore_mem>>) src(%arg4 : memref<4x8192xf32, #tpu.memory_space<vmem>>) dst(%dma_wait3A_20 : memref<4x8192xf32, #tpu.memory_space<hbm>>)
      tpu.yield
    }) : () -> ()
    return
  }
}

module attributes {stable_mosaic.version = 14 : i64} {
  func.func @_tc_body(%arg0: i32, %arg1: memref<896x2048xf32, #tpu.memory_space<vmem>>, %arg2: memref<128x256xf32, #tpu.memory_space<vmem>>, %arg3: memref<896x2048xf32, #tpu.memory_space<vmem>>, %arg4: memref<896x128xf32, #tpu.memory_space<vmem>>) attributes {dimension_semantics = [#tpu.dimension_semantics<arbitrary>], iteration_bounds = array<i64: 4>, scalar_prefetch = 0 : i64, scratch_operands = 1 : i64, tpu.core_type = #tpu.core_type<tc>, window_params = [{transform_indices = @transform_0, window_bounds = array<i64: 896, 2048>}, {pipeline_mode = #tpu.pipeline_mode<synchronous>, transform_indices = @transform_1, window_bounds = array<i64: 128, 256>}, {transform_indices = @transform_2, window_bounds = array<i64: 896, 2048>}]} {
    %eq3A = arith.constant 0 : i32
    %eq3A_0 = arith.cmpi eq, %arg0, %eq3A : i32
    %convert_element_type3A = arith.extui %eq3A_0 : i1 to i32
    %cond3A = arith.constant 0 : i32
    %cond3A_1 = arith.cmpi ne, %convert_element_type3A, %cond3A : i32
    scf.if %cond3A_1 {
      %broadcast_in_dim3A = arith.constant 0.000000e+00 : f32
      %broadcast_in_dim3A_169 = vector.broadcast %broadcast_in_dim3A : f32 to vector<896x128xf32>
      %swap3A_170 = arith.constant 0 : index
      %swap3A_171 = arith.constant 0 : index
      %swap3A_172 = vector.load %arg4[%swap3A_170, %swap3A_171] : memref<896x128xf32, #tpu.memory_space<vmem>>, vector<896x128xf32>
      tpu.vector_store %arg4[%swap3A_170, %swap3A_171], %broadcast_in_dim3A_169 {strides = array<i32>} : memref<896x128xf32, #tpu.memory_space<vmem>>, vector<896x128xf32>,
    } else {
    }
    %get3A = arith.constant 0 : index
    %get3A_2 = arith.constant 0 : index
    %get3A_3 = vector.load %arg1[%get3A, %get3A_2] : memref<896x2048xf32, #tpu.memory_space<vmem>>, vector<896x2048xf32>
    %get3A_4 = arith.constant 0 : index
    %get3A_5 = arith.constant 0 : index
    %get3A_6 = vector.load %arg2[%get3A_4, %get3A_5] : memref<128x256xf32, #tpu.memory_space<vmem>>, vector<128x256xf32>
    %get3A_7 = arith.constant 0 : index
    %get3A_8 = arith.constant 0 : index
    %get3A_9 = vector.load %arg4[%get3A_7, %get3A_8] : memref<896x128xf32, #tpu.memory_space<vmem>>, vector<896x128xf32>
    %slice3A = vector.extract_strided_slice %get3A_3 {offsets = [0, 0], sizes = [896, 128], strides = [1, 1]} : vector<896x2048xf32> to vector<896x128xf32>
    %dot_general3A = arith.constant dense<0.000000e+00> : vector<896x256xf32>
    %dot_general3A_10 = tpu.matmul %slice3A, %get3A_6, %dot_general3A {dimension_numbers = #tpu.dot_dimension_numbers<[1], [0], [0], [1], [0, 0, 1, 1], [], []>, transpose_lhs_hint = false} : vector<896x128xf32>, vector<128x256xf32>, vector<896x256xf32> -> vector<896x256xf32>
    %slice3A_11 = vector.extract_strided_slice %dot_general3A_10 {offsets = [0, 0], sizes = [896, 128], strides = [1, 1]} : vector<896x256xf32> to vector<896x128xf32>
    %add3A = arith.addf %slice3A_11, %get3A_9 : vector<896x128xf32>
    %swap3A = arith.constant 0 : index
    %swap3A_12 = arith.constant 0 : index
    %swap3A_13 = vector.load %arg3[%swap3A, %swap3A_12] : memref<896x2048xf32, #tpu.memory_space<vmem>>, vector<896x128xf32>
    tpu.vector_store %arg3[%swap3A, %swap3A_12], %add3A {strides = array<i32>} : memref<896x2048xf32, #tpu.memory_space<vmem>>, vector<896x128xf32>,
    %slice3A_14 = vector.extract_strided_slice %dot_general3A_10 {offsets = [0, 128], sizes = [896, 128], strides = [1, 1]} : vector<896x256xf32> to vector<896x128xf32>
    %add3A_15 = arith.addf %get3A_9, %slice3A_14 : vector<896x128xf32>
    %slice3A_16 = vector.extract_strided_slice %get3A_3 {offsets = [0, 128], sizes = [896, 128], strides = [1, 1]} : vector<896x2048xf32> to vector<896x128xf32>
    %dot_general3A_17 = arith.constant dense<0.000000e+00> : vector<896x256xf32>
    %dot_general3A_18 = tpu.matmul %slice3A_16, %get3A_6, %dot_general3A_17 {dimension_numbers = #tpu.dot_dimension_numbers<[1], [0], [0], [1], [0, 0, 1, 1], [], []>, transpose_lhs_hint = false} : vector<896x128xf32>, vector<128x256xf32>, vector<896x256xf32> -> vector<896x256xf32>
    %slice3A_19 = vector.extract_strided_slice %dot_general3A_18 {offsets = [0, 0], sizes = [896, 128], strides = [1, 1]} : vector<896x256xf32> to vector<896x128xf32>
    %add3A_20 = arith.addf %slice3A_19, %add3A_15 : vector<896x128xf32>
    %swap3A_21 = arith.constant 0 : index
    %swap3A_22 = arith.constant 128 : index
    %swap3A_23 = vector.load %arg3[%swap3A_21, %swap3A_22] : memref<896x2048xf32, #tpu.memory_space<vmem>>, vector<896x128xf32>
    tpu.vector_store %arg3[%swap3A_21, %swap3A_22], %add3A_20 {strides = array<i32>} : memref<896x2048xf32, #tpu.memory_space<vmem>>, vector<896x128xf32>,
    %slice3A_24 = vector.extract_strided_slice %dot_general3A_18 {offsets = [0, 128], sizes = [896, 128], strides = [1, 1]} : vector<896x256xf32> to vector<896x128xf32>
    %add3A_25 = arith.addf %add3A_15, %slice3A_24 : vector<896x128xf32>
    %slice3A_26 = vector.extract_strided_slice %get3A_3 {offsets = [0, 256], sizes = [896, 128], strides = [1, 1]} : vector<896x2048xf32> to vector<896x128xf32>
    %dot_general3A_27 = arith.constant dense<0.000000e+00> : vector<896x256xf32>
    %dot_general3A_28 = tpu.matmul %slice3A_26, %get3A_6, %dot_general3A_27 {dimension_numbers = #tpu.dot_dimension_numbers<[1], [0], [0], [1], [0, 0, 1, 1], [], []>, transpose_lhs_hint = false} : vector<896x128xf32>, vector<128x256xf32>, vector<896x256xf32> -> vector<896x256xf32>
    %slice3A_29 = vector.extract_strided_slice %dot_general3A_28 {offsets = [0, 0], sizes = [896, 128], strides = [1, 1]} : vector<896x256xf32> to vector<896x128xf32>
    %add3A_30 = arith.addf %slice3A_29, %add3A_25 : vector<896x128xf32>
    %swap3A_31 = arith.constant 0 : index
    %swap3A_32 = arith.constant 256 : index
    %swap3A_33 = vector.load %arg3[%swap3A_31, %swap3A_32] : memref<896x2048xf32, #tpu.memory_space<vmem>>, vector<896x128xf32>
    tpu.vector_store %arg3[%swap3A_31, %swap3A_32], %add3A_30 {strides = array<i32>} : memref<896x2048xf32, #tpu.memory_space<vmem>>, vector<896x128xf32>,
    %slice3A_34 = vector.extract_strided_slice %dot_general3A_28 {offsets = [0, 128], sizes = [896, 128], strides = [1, 1]} : vector<896x256xf32> to vector<896x128xf32>
    %add3A_35 = arith.addf %add3A_25, %slice3A_34 : vector<896x128xf32>
    %slice3A_36 = vector.extract_strided_slice %get3A_3 {offsets = [0, 384], sizes = [896, 128], strides = [1, 1]} : vector<896x2048xf32> to vector<896x128xf32>
    %dot_general3A_37 = arith.constant dense<0.000000e+00> : vector<896x256xf32>
    %dot_general3A_38 = tpu.matmul %slice3A_36, %get3A_6, %dot_general3A_37 {dimension_numbers = #tpu.dot_dimension_numbers<[1], [0], [0], [1], [0, 0, 1, 1], [], []>, transpose_lhs_hint = false} : vector<896x128xf32>, vector<128x256xf32>, vector<896x256xf32> -> vector<896x256xf32>
    %slice3A_39 = vector.extract_strided_slice %dot_general3A_38 {offsets = [0, 0], sizes = [896, 128], strides = [1, 1]} : vector<896x256xf32> to vector<896x128xf32>
    %add3A_40 = arith.addf %slice3A_39, %add3A_35 : vector<896x128xf32>
    %swap3A_41 = arith.constant 0 : index
    %swap3A_42 = arith.constant 384 : index
    %swap3A_43 = vector.load %arg3[%swap3A_41, %swap3A_42] : memref<896x2048xf32, #tpu.memory_space<vmem>>, vector<896x128xf32>
    tpu.vector_store %arg3[%swap3A_41, %swap3A_42], %add3A_40 {strides = array<i32>} : memref<896x2048xf32, #tpu.memory_space<vmem>>, vector<896x128xf32>,
    %slice3A_44 = vector.extract_strided_slice %dot_general3A_38 {offsets = [0, 128], sizes = [896, 128], strides = [1, 1]} : vector<896x256xf32> to vector<896x128xf32>
    %add3A_45 = arith.addf %add3A_35, %slice3A_44 : vector<896x128xf32>
    %slice3A_46 = vector.extract_strided_slice %get3A_3 {offsets = [0, 512], sizes = [896, 128], strides = [1, 1]} : vector<896x2048xf32> to vector<896x128xf32>
    %dot_general3A_47 = arith.constant dense<0.000000e+00> : vector<896x256xf32>
    %dot_general3A_48 = tpu.matmul %slice3A_46, %get3A_6, %dot_general3A_47 {dimension_numbers = #tpu.dot_dimension_numbers<[1], [0], [0], [1], [0, 0, 1, 1], [], []>, transpose_lhs_hint = false} : vector<896x128xf32>, vector<128x256xf32>, vector<896x256xf32> -> vector<896x256xf32>
    %slice3A_49 = vector.extract_strided_slice %dot_general3A_48 {offsets = [0, 0], sizes = [896, 128], strides = [1, 1]} : vector<896x256xf32> to vector<896x128xf32>
    %add3A_50 = arith.addf %slice3A_49, %add3A_45 : vector<896x128xf32>
    %swap3A_51 = arith.constant 0 : index
    %swap3A_52 = arith.constant 512 : index
    %swap3A_53 = vector.load %arg3[%swap3A_51, %swap3A_52] : memref<896x2048xf32, #tpu.memory_space<vmem>>, vector<896x128xf32>
    tpu.vector_store %arg3[%swap3A_51, %swap3A_52], %add3A_50 {strides = array<i32>} : memref<896x2048xf32, #tpu.memory_space<vmem>>, vector<896x128xf32>,
    %slice3A_54 = vector.extract_strided_slice %dot_general3A_48 {offsets = [0, 128], sizes = [896, 128], strides = [1, 1]} : vector<896x256xf32> to vector<896x128xf32>
    %add3A_55 = arith.addf %add3A_45, %slice3A_54 : vector<896x128xf32>
    %slice3A_56 = vector.extract_strided_slice %get3A_3 {offsets = [0, 640], sizes = [896, 128], strides = [1, 1]} : vector<896x2048xf32> to vector<896x128xf32>
    %dot_general3A_57 = arith.constant dense<0.000000e+00> : vector<896x256xf32>
    %dot_general3A_58 = tpu.matmul %slice3A_56, %get3A_6, %dot_general3A_57 {dimension_numbers = #tpu.dot_dimension_numbers<[1], [0], [0], [1], [0, 0, 1, 1], [], []>, transpose_lhs_hint = false} : vector<896x128xf32>, vector<128x256xf32>, vector<896x256xf32> -> vector<896x256xf32>
    %slice3A_59 = vector.extract_strided_slice %dot_general3A_58 {offsets = [0, 0], sizes = [896, 128], strides = [1, 1]} : vector<896x256xf32> to vector<896x128xf32>
    %add3A_60 = arith.addf %slice3A_59, %add3A_55 : vector<896x128xf32>
    %swap3A_61 = arith.constant 0 : index
    %swap3A_62 = arith.constant 640 : index
    %swap3A_63 = vector.load %arg3[%swap3A_61, %swap3A_62] : memref<896x2048xf32, #tpu.memory_space<vmem>>, vector<896x128xf32>
    tpu.vector_store %arg3[%swap3A_61, %swap3A_62], %add3A_60 {strides = array<i32>} : memref<896x2048xf32, #tpu.memory_space<vmem>>, vector<896x128xf32>,
    %slice3A_64 = vector.extract_strided_slice %dot_general3A_58 {offsets = [0, 128], sizes = [896, 128], strides = [1, 1]} : vector<896x256xf32> to vector<896x128xf32>
    %add3A_65 = arith.addf %add3A_55, %slice3A_64 : vector<896x128xf32>
    %slice3A_66 = vector.extract_strided_slice %get3A_3 {offsets = [0, 768], sizes = [896, 128], strides = [1, 1]} : vector<896x2048xf32> to vector<896x128xf32>
    %dot_general3A_67 = arith.constant dense<0.000000e+00> : vector<896x256xf32>
    %dot_general3A_68 = tpu.matmul %slice3A_66, %get3A_6, %dot_general3A_67 {dimension_numbers = #tpu.dot_dimension_numbers<[1], [0], [0], [1], [0, 0, 1, 1], [], []>, transpose_lhs_hint = false} : vector<896x128xf32>, vector<128x256xf32>, vector<896x256xf32> -> vector<896x256xf32>
    %slice3A_69 = vector.extract_strided_slice %dot_general3A_68 {offsets = [0, 0], sizes = [896, 128], strides = [1, 1]} : vector<896x256xf32> to vector<896x128xf32>
    %add3A_70 = arith.addf %slice3A_69, %add3A_65 : vector<896x128xf32>
    %swap3A_71 = arith.constant 0 : index
    %swap3A_72 = arith.constant 768 : index
    %swap3A_73 = vector.load %arg3[%swap3A_71, %swap3A_72] : memref<896x2048xf32, #tpu.memory_space<vmem>>, vector<896x128xf32>
    tpu.vector_store %arg3[%swap3A_71, %swap3A_72], %add3A_70 {strides = array<i32>} : memref<896x2048xf32, #tpu.memory_space<vmem>>, vector<896x128xf32>,
    %slice3A_74 = vector.extract_strided_slice %dot_general3A_68 {offsets = [0, 128], sizes = [896, 128], strides = [1, 1]} : vector<896x256xf32> to vector<896x128xf32>
    %add3A_75 = arith.addf %add3A_65, %slice3A_74 : vector<896x128xf32>
    %slice3A_76 = vector.extract_strided_slice %get3A_3 {offsets = [0, 896], sizes = [896, 128], strides = [1, 1]} : vector<896x2048xf32> to vector<896x128xf32>
    %dot_general3A_77 = arith.constant dense<0.000000e+00> : vector<896x256xf32>
    %dot_general3A_78 = tpu.matmul %slice3A_76, %get3A_6, %dot_general3A_77 {dimension_numbers = #tpu.dot_dimension_numbers<[1], [0], [0], [1], [0, 0, 1, 1], [], []>, transpose_lhs_hint = false} : vector<896x128xf32>, vector<128x256xf32>, vector<896x256xf32> -> vector<896x256xf32>
    %slice3A_79 = vector.extract_strided_slice %dot_general3A_78 {offsets = [0, 0], sizes = [896, 128], strides = [1, 1]} : vector<896x256xf32> to vector<896x128xf32>
    %add3A_80 = arith.addf %slice3A_79, %add3A_75 : vector<896x128xf32>
    %swap3A_81 = arith.constant 0 : index
    %swap3A_82 = arith.constant 896 : index
    %swap3A_83 = vector.load %arg3[%swap3A_81, %swap3A_82] : memref<896x2048xf32, #tpu.memory_space<vmem>>, vector<896x128xf32>
    tpu.vector_store %arg3[%swap3A_81, %swap3A_82], %add3A_80 {strides = array<i32>} : memref<896x2048xf32, #tpu.memory_space<vmem>>, vector<896x128xf32>,
    %slice3A_84 = vector.extract_strided_slice %dot_general3A_78 {offsets = [0, 128], sizes = [896, 128], strides = [1, 1]} : vector<896x256xf32> to vector<896x128xf32>
    %add3A_85 = arith.addf %add3A_75, %slice3A_84 : vector<896x128xf32>
    %slice3A_86 = vector.extract_strided_slice %get3A_3 {offsets = [0, 1024], sizes = [896, 128], strides = [1, 1]} : vector<896x2048xf32> to vector<896x128xf32>
    %dot_general3A_87 = arith.constant dense<0.000000e+00> : vector<896x256xf32>
    %dot_general3A_88 = tpu.matmul %slice3A_86, %get3A_6, %dot_general3A_87 {dimension_numbers = #tpu.dot_dimension_numbers<[1], [0], [0], [1], [0, 0, 1, 1], [], []>, transpose_lhs_hint = false} : vector<896x128xf32>, vector<128x256xf32>, vector<896x256xf32> -> vector<896x256xf32>
    %slice3A_89 = vector.extract_strided_slice %dot_general3A_88 {offsets = [0, 0], sizes = [896, 128], strides = [1, 1]} : vector<896x256xf32> to vector<896x128xf32>
    %add3A_90 = arith.addf %slice3A_89, %add3A_85 : vector<896x128xf32>
    %swap3A_91 = arith.constant 0 : index
    %swap3A_92 = arith.constant 1024 : index
    %swap3A_93 = vector.load %arg3[%swap3A_91, %swap3A_92] : memref<896x2048xf32, #tpu.memory_space<vmem>>, vector<896x128xf32>
    tpu.vector_store %arg3[%swap3A_91, %swap3A_92], %add3A_90 {strides = array<i32>} : memref<896x2048xf32, #tpu.memory_space<vmem>>, vector<896x128xf32>,
    %slice3A_94 = vector.extract_strided_slice %dot_general3A_88 {offsets = [0, 128], sizes = [896, 128], strides = [1, 1]} : vector<896x256xf32> to vector<896x128xf32>
    %add3A_95 = arith.addf %add3A_85, %slice3A_94 : vector<896x128xf32>
    %slice3A_96 = vector.extract_strided_slice %get3A_3 {offsets = [0, 1152], sizes = [896, 128], strides = [1, 1]} : vector<896x2048xf32> to vector<896x128xf32>
    %dot_general3A_97 = arith.constant dense<0.000000e+00> : vector<896x256xf32>
    %dot_general3A_98 = tpu.matmul %slice3A_96, %get3A_6, %dot_general3A_97 {dimension_numbers = #tpu.dot_dimension_numbers<[1], [0], [0], [1], [0, 0, 1, 1], [], []>, transpose_lhs_hint = false} : vector<896x128xf32>, vector<128x256xf32>, vector<896x256xf32> -> vector<896x256xf32>
    %slice3A_99 = vector.extract_strided_slice %dot_general3A_98 {offsets = [0, 0], sizes = [896, 128], strides = [1, 1]} : vector<896x256xf32> to vector<896x128xf32>
    %add3A_100 = arith.addf %slice3A_99, %add3A_95 : vector<896x128xf32>
    %swap3A_101 = arith.constant 0 : index
    %swap3A_102 = arith.constant 1152 : index
    %swap3A_103 = vector.load %arg3[%swap3A_101, %swap3A_102] : memref<896x2048xf32, #tpu.memory_space<vmem>>, vector<896x128xf32>
    tpu.vector_store %arg3[%swap3A_101, %swap3A_102], %add3A_100 {strides = array<i32>} : memref<896x2048xf32, #tpu.memory_space<vmem>>, vector<896x128xf32>,
    %slice3A_104 = vector.extract_strided_slice %dot_general3A_98 {offsets = [0, 128], sizes = [896, 128], strides = [1, 1]} : vector<896x256xf32> to vector<896x128xf32>
    %add3A_105 = arith.addf %add3A_95, %slice3A_104 : vector<896x128xf32>
    %slice3A_106 = vector.extract_strided_slice %get3A_3 {offsets = [0, 1280], sizes = [896, 128], strides = [1, 1]} : vector<896x2048xf32> to vector<896x128xf32>
    %dot_general3A_107 = arith.constant dense<0.000000e+00> : vector<896x256xf32>
    %dot_general3A_108 = tpu.matmul %slice3A_106, %get3A_6, %dot_general3A_107 {dimension_numbers = #tpu.dot_dimension_numbers<[1], [0], [0], [1], [0, 0, 1, 1], [], []>, transpose_lhs_hint = false} : vector<896x128xf32>, vector<128x256xf32>, vector<896x256xf32> -> vector<896x256xf32>
    %slice3A_109 = vector.extract_strided_slice %dot_general3A_108 {offsets = [0, 0], sizes = [896, 128], strides = [1, 1]} : vector<896x256xf32> to vector<896x128xf32>
    %add3A_110 = arith.addf %slice3A_109, %add3A_105 : vector<896x128xf32>
    %swap3A_111 = arith.constant 0 : index
    %swap3A_112 = arith.constant 1280 : index
    %swap3A_113 = vector.load %arg3[%swap3A_111, %swap3A_112] : memref<896x2048xf32, #tpu.memory_space<vmem>>, vector<896x128xf32>
    tpu.vector_store %arg3[%swap3A_111, %swap3A_112], %add3A_110 {strides = array<i32>} : memref<896x2048xf32, #tpu.memory_space<vmem>>, vector<896x128xf32>,
    %slice3A_114 = vector.extract_strided_slice %dot_general3A_108 {offsets = [0, 128], sizes = [896, 128], strides = [1, 1]} : vector<896x256xf32> to vector<896x128xf32>
    %add3A_115 = arith.addf %add3A_105, %slice3A_114 : vector<896x128xf32>
    %slice3A_116 = vector.extract_strided_slice %get3A_3 {offsets = [0, 1408], sizes = [896, 128], strides = [1, 1]} : vector<896x2048xf32> to vector<896x128xf32>
    %dot_general3A_117 = arith.constant dense<0.000000e+00> : vector<896x256xf32>
    %dot_general3A_118 = tpu.matmul %slice3A_116, %get3A_6, %dot_general3A_117 {dimension_numbers = #tpu.dot_dimension_numbers<[1], [0], [0], [1], [0, 0, 1, 1], [], []>, transpose_lhs_hint = false} : vector<896x128xf32>, vector<128x256xf32>, vector<896x256xf32> -> vector<896x256xf32>
    %slice3A_119 = vector.extract_strided_slice %dot_general3A_118 {offsets = [0, 0], sizes = [896, 128], strides = [1, 1]} : vector<896x256xf32> to vector<896x128xf32>
    %add3A_120 = arith.addf %slice3A_119, %add3A_115 : vector<896x128xf32>
    %swap3A_121 = arith.constant 0 : index
    %swap3A_122 = arith.constant 1408 : index
    %swap3A_123 = vector.load %arg3[%swap3A_121, %swap3A_122] : memref<896x2048xf32, #tpu.memory_space<vmem>>, vector<896x128xf32>
    tpu.vector_store %arg3[%swap3A_121, %swap3A_122], %add3A_120 {strides = array<i32>} : memref<896x2048xf32, #tpu.memory_space<vmem>>, vector<896x128xf32>,
    %slice3A_124 = vector.extract_strided_slice %dot_general3A_118 {offsets = [0, 128], sizes = [896, 128], strides = [1, 1]} : vector<896x256xf32> to vector<896x128xf32>
    %add3A_125 = arith.addf %add3A_115, %slice3A_124 : vector<896x128xf32>
    %slice3A_126 = vector.extract_strided_slice %get3A_3 {offsets = [0, 1536], sizes = [896, 128], strides = [1, 1]} : vector<896x2048xf32> to vector<896x128xf32>
    %dot_general3A_127 = arith.constant dense<0.000000e+00> : vector<896x256xf32>
    %dot_general3A_128 = tpu.matmul %slice3A_126, %get3A_6, %dot_general3A_127 {dimension_numbers = #tpu.dot_dimension_numbers<[1], [0], [0], [1], [0, 0, 1, 1], [], []>, transpose_lhs_hint = false} : vector<896x128xf32>, vector<128x256xf32>, vector<896x256xf32> -> vector<896x256xf32>
    %slice3A_129 = vector.extract_strided_slice %dot_general3A_128 {offsets = [0, 0], sizes = [896, 128], strides = [1, 1]} : vector<896x256xf32> to vector<896x128xf32>
    %add3A_130 = arith.addf %slice3A_129, %add3A_125 : vector<896x128xf32>
    %swap3A_131 = arith.constant 0 : index
    %swap3A_132 = arith.constant 1536 : index
    %swap3A_133 = vector.load %arg3[%swap3A_131, %swap3A_132] : memref<896x2048xf32, #tpu.memory_space<vmem>>, vector<896x128xf32>
    tpu.vector_store %arg3[%swap3A_131, %swap3A_132], %add3A_130 {strides = array<i32>} : memref<896x2048xf32, #tpu.memory_space<vmem>>, vector<896x128xf32>,
    %slice3A_134 = vector.extract_strided_slice %dot_general3A_128 {offsets = [0, 128], sizes = [896, 128], strides = [1, 1]} : vector<896x256xf32> to vector<896x128xf32>
    %add3A_135 = arith.addf %add3A_125, %slice3A_134 : vector<896x128xf32>
    %slice3A_136 = vector.extract_strided_slice %get3A_3 {offsets = [0, 1664], sizes = [896, 128], strides = [1, 1]} : vector<896x2048xf32> to vector<896x128xf32>
    %dot_general3A_137 = arith.constant dense<0.000000e+00> : vector<896x256xf32>
    %dot_general3A_138 = tpu.matmul %slice3A_136, %get3A_6, %dot_general3A_137 {dimension_numbers = #tpu.dot_dimension_numbers<[1], [0], [0], [1], [0, 0, 1, 1], [], []>, transpose_lhs_hint = false} : vector<896x128xf32>, vector<128x256xf32>, vector<896x256xf32> -> vector<896x256xf32>
    %slice3A_139 = vector.extract_strided_slice %dot_general3A_138 {offsets = [0, 0], sizes = [896, 128], strides = [1, 1]} : vector<896x256xf32> to vector<896x128xf32>
    %add3A_140 = arith.addf %slice3A_139, %add3A_135 : vector<896x128xf32>
    %swap3A_141 = arith.constant 0 : index
    %swap3A_142 = arith.constant 1664 : index
    %swap3A_143 = vector.load %arg3[%swap3A_141, %swap3A_142] : memref<896x2048xf32, #tpu.memory_space<vmem>>, vector<896x128xf32>
    tpu.vector_store %arg3[%swap3A_141, %swap3A_142], %add3A_140 {strides = array<i32>} : memref<896x2048xf32, #tpu.memory_space<vmem>>, vector<896x128xf32>,
    %slice3A_144 = vector.extract_strided_slice %dot_general3A_138 {offsets = [0, 128], sizes = [896, 128], strides = [1, 1]} : vector<896x256xf32> to vector<896x128xf32>
    %add3A_145 = arith.addf %add3A_135, %slice3A_144 : vector<896x128xf32>
    %slice3A_146 = vector.extract_strided_slice %get3A_3 {offsets = [0, 1792], sizes = [896, 128], strides = [1, 1]} : vector<896x2048xf32> to vector<896x128xf32>
    %dot_general3A_147 = arith.constant dense<0.000000e+00> : vector<896x256xf32>
    %dot_general3A_148 = tpu.matmul %slice3A_146, %get3A_6, %dot_general3A_147 {dimension_numbers = #tpu.dot_dimension_numbers<[1], [0], [0], [1], [0, 0, 1, 1], [], []>, transpose_lhs_hint = false} : vector<896x128xf32>, vector<128x256xf32>, vector<896x256xf32> -> vector<896x256xf32>
    %slice3A_149 = vector.extract_strided_slice %dot_general3A_148 {offsets = [0, 0], sizes = [896, 128], strides = [1, 1]} : vector<896x256xf32> to vector<896x128xf32>
    %add3A_150 = arith.addf %slice3A_149, %add3A_145 : vector<896x128xf32>
    %swap3A_151 = arith.constant 0 : index
    %swap3A_152 = arith.constant 1792 : index
    %swap3A_153 = vector.load %arg3[%swap3A_151, %swap3A_152] : memref<896x2048xf32, #tpu.memory_space<vmem>>, vector<896x128xf32>
    tpu.vector_store %arg3[%swap3A_151, %swap3A_152], %add3A_150 {strides = array<i32>} : memref<896x2048xf32, #tpu.memory_space<vmem>>, vector<896x128xf32>,
    %slice3A_154 = vector.extract_strided_slice %dot_general3A_148 {offsets = [0, 128], sizes = [896, 128], strides = [1, 1]} : vector<896x256xf32> to vector<896x128xf32>
    %add3A_155 = arith.addf %add3A_145, %slice3A_154 : vector<896x128xf32>
    %slice3A_156 = vector.extract_strided_slice %get3A_3 {offsets = [0, 1920], sizes = [896, 128], strides = [1, 1]} : vector<896x2048xf32> to vector<896x128xf32>
    %dot_general3A_157 = arith.constant dense<0.000000e+00> : vector<896x256xf32>
    %dot_general3A_158 = tpu.matmul %slice3A_156, %get3A_6, %dot_general3A_157 {dimension_numbers = #tpu.dot_dimension_numbers<[1], [0], [0], [1], [0, 0, 1, 1], [], []>, transpose_lhs_hint = false} : vector<896x128xf32>, vector<128x256xf32>, vector<896x256xf32> -> vector<896x256xf32>
    %slice3A_159 = vector.extract_strided_slice %dot_general3A_158 {offsets = [0, 0], sizes = [896, 128], strides = [1, 1]} : vector<896x256xf32> to vector<896x128xf32>
    %add3A_160 = arith.addf %slice3A_159, %add3A_155 : vector<896x128xf32>
    %swap3A_161 = arith.constant 0 : index
    %swap3A_162 = arith.constant 1920 : index
    %swap3A_163 = vector.load %arg3[%swap3A_161, %swap3A_162] : memref<896x2048xf32, #tpu.memory_space<vmem>>, vector<896x128xf32>
    tpu.vector_store %arg3[%swap3A_161, %swap3A_162], %add3A_160 {strides = array<i32>} : memref<896x2048xf32, #tpu.memory_space<vmem>>, vector<896x128xf32>,
    %slice3A_164 = vector.extract_strided_slice %dot_general3A_158 {offsets = [0, 128], sizes = [896, 128], strides = [1, 1]} : vector<896x256xf32> to vector<896x128xf32>
    %add3A_165 = arith.addf %add3A_155, %slice3A_164 : vector<896x128xf32>
    %swap3A_166 = arith.constant 0 : index
    %swap3A_167 = arith.constant 0 : index
    %swap3A_168 = vector.load %arg4[%swap3A_166, %swap3A_167] : memref<896x128xf32, #tpu.memory_space<vmem>>, vector<896x128xf32>
    tpu.vector_store %arg4[%swap3A_166, %swap3A_167], %add3A_165 {strides = array<i32>} : memref<896x128xf32, #tpu.memory_space<vmem>>, vector<896x128xf32>,
    return
  }
  func.func @transform_0(%arg0: i32) -> (i32, i32) {
    %c0_i32 = arith.constant 0 : i32
    %c0_i32_0 = arith.constant 0 : i32
    return %c0_i32, %arg0 : i32, i32
  }
  func.func @transform_1(%arg0: i32) -> (i32, i32) {
    %c0_i32 = arith.constant 0 : i32
    %c0_i32_0 = arith.constant 0 : i32
    %c0_i32_1 = arith.constant 0 : i32
    return %c0_i32, %c0_i32_0 : i32, i32
  }
  func.func @transform_2(%arg0: i32) -> (i32, i32) {
    %c0_i32 = arith.constant 0 : i32
    %c0_i32_0 = arith.constant 0 : i32
    return %c0_i32, %arg0 : i32, i32
  }
}

</mosaic_0001>

<sc_bundles>
// kernel: kernel.4.cloned.1.call-start
scs
__scs_entry_jumppad:
0x0: {  	(pc) =	sbr.rel $0x88, $3  }
0x1: {  	(tag) =	ssettag $0x0;
	lr =	simm.s32 $0x1  }
0x2: {  	[smem:$0x3FA0] =	sst lr;
	_ =	strace $0xD0000000  }
0x3: {  	_ = 	snop  }
0x4: {  	_ = 	snop  }
0x5: {  	_ = 	snop  }
0x6: {  	_ = 	snop  }
0x7: {  	_ = 	snop  }
__scs_overlays_trampoline_lowered:
0x8: {  	[smem:$0x3FAF] =	sst s0  }
0x9: {  	[smem:$0x3FB0] =	sst s1  }
0xa: {  	[smem:$0x3FB1] =	sst s2  }
0xb: {  	[smem:$0x3FB2] =	sst s3  }
0xc: {  	[smem:$0x3FB3] =	sst s4  }
0xd: {  	[smem:$0x3FB4] =	sst s5  }
0xe: {  	[smem:$0x3FB5] =	sst s6  }
0xf: {  	[smem:$0x3FB6] =	sst s7  }
0x10: {  	[smem:$0x3FB7] =	sst s8  }
0x11: {  	[smem:$0x3FB8] =	sst s9;
	s0 =	simm.s32 @!p0 $0x0  }
0x12: {  	s1 =	sld [smem:$0x3F9E];
	s0 =	simm.s32 @p0 $0x1  }
0x13: {  	[smem:$0x3FB9] =	sst s0;
	s0 =	simm.s32 @!p1 $0x0  }
0x14: {  	s2 =	sld [smem:$0x3F9D];
	s0 =	simm.s32 @p1 $0x1  }
0x15: {  	[smem:$0x3FBA] =	sst s0;
	s0 =	simm.s32 @!p2 $0x0  }
0x16: {  	s3 =	sld [smem:$0x3FDB];
	s0 =	simm.s32 @p2 $0x1  }
0x17: {  	s4 =	simm.s32 $0x1BF5;
	[smem:$0x3FBC] =	sst s0  }
0x18: {  	s0 =	sld [smem:$0x3F9F];
	_ =	swait.ge [sflag:s4], $0x0  }
0x19: {  	s7 =	sld [smem:$0x3FA0]  }
0x1a: {  	s8 =	sadd.s32 $0xFFFFE003, lr  }
0x1b: {  	s9 =	sadd.s32 $0xFFFFFEF7, lr;
	s5 =	simm.s32 $0xFFFFFFFF;
	p2 =	slt.u32 s8, $0xFFFFF086  }
0x1c: {  	p1 =	slt.u32 s9, $0xF7A;
	s5 =	simm.s32 @!p2 $0x0  }
0x1d: {  	s5 =	simm.s32 @p1 $0x1;
	p0 =	seq.s32 s7, s2  }
0x1e: {  	s7 =	smul.u32 @!p0 $0xF7A, s2;
	p2 =	seq.s32 @!p0 s5, $0x0  }
0x1f: {  	s9 =	smul.u32 $0xF7A, s1;
	s8 =	simm.s32 @!p0 $0x1BF5;
	p2 =	por !p2, p0  }
0x20: {  	[sflag:s8] =	ssyncset.s32 @!p0 $0xFFFFF086;
	s6 =	sadd.s32 @!p0 s3, s7;
	s7 =	simm.s32 @!p0 $0x108  }
0x21: {  	s3 =	sadd.s32 s3, s9;
	s6 =	sadd.s32 @!p0 $0x88, s6;
	s7 =	simm.s32 @p2 $0x1082  }
0x22: {  	[simem:s7], [sflag:s8] =	dma.local @!p0 [hbm:s6], $0xF7A  }
0x23: {  	s9 =	sor.u32 $0xD0000000, s2;
	s6 =	simm.s32 $0x108;
	_ =	swait.ge @!p0 [sflag:s8], $0x0  }
0x24: {  	s3 =	sadd.s32 $0x88, s3;
	s6 =	simm.s32 @!p1 $0x1082;
	[sflag:s4] =	ssyncset.s32 $0xFFFFF086  }
0x25: {  	[simem:s6], [sflag:s4] =	dma.local [hbm:s3], $0xF7A  }
0x26: {  	[smem:$0x3FA0] =	sst s1;
	(tag) =	ssettag s2;
	_ =	strace s9  }
0x27: {  	s1 =	sld [smem:$0x3FB0]  }
0x28: {  	s2 =	sld [smem:$0x3FB1]  }
0x29: {  	s4 =	sld [smem:$0x3FB3]  }
0x2a: {  	p0 =	seq.s32 s5, $0x0;
	s5 =	sld [smem:$0x3FB4]  }
0x2b: {  	s6 =	sld [smem:$0x3FB5]  }
0x2c: {  	s7 =	sld [smem:$0x3FB6]  }
0x2d: {  	s3 =	simm.s32 $0x108;
	s8 =	sld [smem:$0x3FB7]  }
0x2e: {  	s3 =	simm.s32 @!p0 $0x1082;
	s9 =	sld [smem:$0x3FB8]  }
0x2f: {  	lr =	sadd.s32 s0, s3;
	s0 =	sld [smem:$0x3FAF]  }
0x30: {  	s3 =	sld [smem:$0x3FB2]  }
0x31: {  	[smem:$0x3FBB] =	sst s10  }
0x32: {  	s10 =	sld [smem:$0x3FB9];
	_ =	sdelay $0x3  }
0x33: {  	p0 =	seq.s32 s10, $0x1;
	s10 =	sld [smem:$0x3FBB];
	_ =	sdelay $0x3  }
0x34: {  	[smem:$0x3FBB] =	sst s10  }
0x35: {  	s10 =	sld [smem:$0x3FBA];
	_ =	sdelay $0x3  }
0x36: {  	p1 =	seq.s32 s10, $0x1;
	s10 =	sld [smem:$0x3FBB];
	_ =	sdelay $0x3  }
0x37: {  	[smem:$0x3FBB] =	sst s10  }
0x38: {  	s10 =	sld [smem:$0x3FBC]  }
0x39: {  	_ = 	snop;
	(pc) =	sbr.ind lr, $3  }
0x3a: {  	_ = 	snop  }
0x3b: {  	_ = 	snop  }
0x3c: {  	p2 =	seq.s32 s10, $0x1;
	s10 =	sld [smem:$0x3FBB]  }
0x3d: {  	_ =	shalt  }
0x3e: {  	_ =	shalt  }
0x3f: {  	_ =	shalt  }
0x40: {  	_ =	shalt  }
0x41: {  	_ =	shalt  }
0x42: {  	_ =	shalt  }
0x43: {  	_ =	shalt  }
0x44: {  	_ =	shalt  }
0x45: {  	_ =	shalt  }
0x46: {  	_ =	shalt  }
0x47: {  	_ =	shalt  }
0x48: {  	_ =	shalt  }
0x49: {  	_ =	shalt  }
0x4a: {  	_ =	shalt  }
0x4b: {  	_ =	shalt  }
0x4c: {  	_ =	shalt  }
0x4d: {  	_ =	shalt  }
0x4e: {  	_ =	shalt  }
0x4f: {  	_ =	shalt  }
0x50: {  	_ =	shalt  }
0x51: {  	_ =	shalt  }
0x52: {  	_ =	shalt  }
0x53: {  	_ =	shalt  }
0x54: {  	_ =	shalt  }
0x55: {  	_ =	shalt  }
0x56: {  	_ =	shalt  }
0x57: {  	_ =	shalt  }
0x58: {  	_ =	shalt  }
0x59: {  	_ =	shalt  }
0x5a: {  	_ =	shalt  }
0x5b: {  	_ =	shalt  }
0x5c: {  	_ =	shalt  }
0x5d: {  	_ =	shalt  }
0x5e: {  	_ =	shalt  }
0x5f: {  	_ =	shalt  }
0x60: {  	_ =	shalt  }
0x61: {  	_ =	shalt  }
0x62: {  	_ =	shalt  }
0x63: {  	_ =	shalt  }
0x64: {  	_ =	shalt  }
0x65: {  	_ =	shalt  }
0x66: {  	_ =	shalt  }
0x67: {  	_ =	shalt  }
0x68: {  	_ =	shalt  }
0x69: {  	_ =	shalt  }
0x6a: {  	_ =	shalt  }
0x6b: {  	_ =	shalt  }
0x6c: {  	_ =	shalt  }
0x6d: {  	_ =	shalt  }
0x6e: {  	_ =	shalt  }
0x6f: {  	_ =	shalt  }
0x70: {  	_ =	shalt  }
0x71: {  	_ =	shalt  }
0x72: {  	_ =	shalt  }
0x73: {  	_ =	shalt  }
0x74: {  	_ =	shalt  }
0x75: {  	_ =	shalt  }
0x76: {  	_ =	shalt  }
0x77: {  	_ =	shalt  }
0x78: {  	_ =	shalt  }
0x79: {  	_ =	shalt  }
0x7a: {  	_ =	shalt  }
0x7b: {  	_ =	shalt  }
0x7c: {  	_ =	shalt  }
0x7d: {  	_ =	shalt  }
0x7e: {  	_ =	shalt  }
0x7f: {  	_ =	shalt  }
0x80: {  	_ =	shalt  }
0x81: {  	_ =	shalt  }
0x82: {  	_ =	shalt  }
0x83: {  	_ =	shalt  }
0x84: {  	_ =	shalt  }
0x85: {  	_ =	shalt  }
0x86: {  	_ =	shalt  }
0x87: {  	_ =	shalt  }
.Lfunc_end0:
.L_simem_size_0:
called_computation_lowered:
.L_overlay_start_0:
0x88: {  	s2 =	sld [smem:$0x3FD9]  }
0x89: {  	s3 =	sld [smem:$0x3FFE];
	_ =	sdelay $0x1  }
0x8a: {  	s1 =	srdreg.scid  }
0x8b: {  	s0 =	sand.u32 $0x1, s1  }
0x8c: {  	s17 =	sshll.u32 s0, $0xA;
	s2 =	sadd.s32 s3, s2  }
0x8d: {  	s2 =	sadd.s32 s2, s17  }
0x8e: {  	[smem:$0x3FC7] =	sst s2  }
0x8f: {  	_ = 	snop  }
0x90: {  	s2 =	sld [smem:$0x3FC9];
	(tm) =	ssettm $0x1  }
0x91: {  	s18 =	sld [smem:$0x3FFB];
	_ =	sdelay $0x3  }
0x92: {  	_ =	strace s18  }
0x93: {  	s3 =	sld [smem:$0x3FFC];
	_ =	sdelay $0x3  }
0x94: {  	_ =	strace s3  }
0x95: {  	s3 =	sld [smem:$0x3FFD];
	_ =	sdelay $0x3  }
0x96: {  	_ =	strace s3  }
0x97: {  	_ =	strace $0x8FFFFFFF  }
0x98: {  	s19 =	sld [smem:$0x3FDB];
	_ =	sdelay $0x1  }
0x99: {  	s4 =	simm.s32 $_scs_section_size  }
0x9a: {  	s5 =	simm.s32 $_size__tile_overlayer_lowered;
	s6 =	simm.s32 $_tile_overlayer_lowered  }
0x9b: {  	s22 =	simm.s32 $0x1BFF;
	s21 =	sshll.u32 s6, $0x1;
	s3 =	sadd.s32 s4, s19  }
0x9c: {  	s7 =	simm.s32 $0x0;
	s20 =	sshll.u32 s5, $0x1;
	s5 =	sadd.s32 s21, s3  }
0x9d: {  	[timem:s7], [sflag:s22] =	dma.local [hbm:s5], s20  }
0x9e: {  	_ =	swait.ge [sflag:s22], s20  }
0x9f: {  	s4 =	ssub.s32 $0x0, s20;
	[sflag:s22] =	ssyncset.done $0x0  }
0xa0: {  	[sflag:s22] =	ssyncadd.s32 s4;
	_ =	sdelay $0x1  }
0xa1: {  	s23 =	simm.s32 $0x1B8B  }
0xa2: {  	_ =	swait.ge [sflag:s23], $0x1  }
0xa3: {  	[sflag:s23] =	ssyncset.done $0x0  }
0xa4: {  	s25 =	simm.s32 $0x1B8E;
	s24 =	sld [smem:$0x3FFE];
	[sflag:s23] =	ssyncadd.s32 $0xFFFFFFFF  }
0xa5: {  	s26 =	simm.s32 $execute0_lowered;
	[smem:$0x3FD2] =	sst s25  }
0xa6: {  	s5 =	sshll.u32 s26, $0x1;
	_ =	strace $0x80000046;
	[dreg:$0x1] =	wrdreg $0xFFFFFFFF  }
0xa7: {  	s28 =	simm.s32 $_size_execute0_lowered;
	s3 =	sadd.s32 s3, s5;
	[dreg:$0x0] =	wrdreg $0x0  }
0xa8: {  	s5 =	sshll.u32 s28, $0x1;
	[dreg:$0x2] =	wrdreg s3  }
0xa9: {  	[dreg:$0x3] =	wrdreg s5  }
0xaa: {  	[dreg:$0x4] =	wrdreg $0xC0  }
0xab: {  	_ =	task [dreg:s7], $0x5FFFF  }
0xac: {  	[dreg:$0x1] =	wrdreg $0xFFFFFFFF  }
0xad: {  	[dreg:$0x0] =	wrdreg $0x60  }
0xae: {  	[dreg:$0x2] =	wrdreg s2  }
0xaf: {  	[dreg:$0x3] =	wrdreg s24  }
0xb0: {  	[dreg:$0x4] =	wrdreg $0x9  }
0xb1: {  	_ =	task.clear_ibuf [dreg:s7], $0x5FFFF;
	_ =	strace $0x90000046  }
0xb2: {  	s29 =	simm.s32 $0x9;
	_ =	strace $0x80000048  }
0xb3: {  	_ =	swait.ge [sflag:s29], $0x1  }
0xb4: {  	[sflag:s29] =	ssyncadd.s32 $0xFFFFFFFF  }
0xb5: {  	_ =	strace $0x90000048  }
0xb6: {  	_ =	sfence  }
0xb7: {  	s30 =	sld [smem:$0x0];
	_ =	sdelay $0x2  }
0xb8: {  	s31 =	sshll.u32 s1, $0xD;
	s1 =	sshrl.u32 s1, $0x2  }
0xb9: {  	s3 =	sand.u32 $0x4000, s31;
	s1 =	sadd.s32 s1, s30  }
0xba: {  	s0 =	sor.u32 s3, s0;
	s1 =	sshll.u32 s1, $0x11  }
0xbb: {  	s0 =	sor.u32 s1, s0  }
0xbc: {  	s0 =	sadd.s32 $0x8F2B, s0  }
0xbd: {  	[sflag:s0] =	ssyncadd.remote.s32 $0x1  }
0xbe: {  	_ =	sfence.sel $0xFFFF  }
0xbf: {  	[dreg:$0x0] =	wrdreg $0xFFFFFFFF;
	(pc) =	sbr.abs _section_cstart, $3  }
0xc0: {  	[dreg:$0x1] =	wrdreg $0xFFFFFFFF  }
0xc1: {  	_ =	task.clear_ibuf [dreg:s7], $0x2FFFF;
	_ =	strace $0x9FFFFFFF  }
0xc2: {  	(tm) =	ssettm $0x7FFFFFFF  }
0xc3: {  	_ =	shalt  }
tec
execute0_lowered:
.L_overlay_start_1:
0x0: {  	(tag) =	ssettag $0x1  }
0x1: {  	s3 =	rddreg [dreg:$0x0]  }
0x2: {  	s4 =	rddreg [dreg:$0x1];
	s2 =	srdreg.scid  }
0x3: {  	s0 =	rddreg [dreg:$0x2];
	s1 =	stileid.u32;
	s8 =	simm.s32 $0x1  }
0x4: {  	s9 =	simm.s32 $0x0;
	s5 =	sand.u32 $0x1, s2;
	s2 =	simm.s32 $0x0  }
0x5: {  	s6 =	sshll.u32 s1, $0xD;
	s7 =	sshll.u32 s5, $0x6;
	[smem:$0x7FF] =	sst s2  }
0x6: {  	s5 =	ssub.s32 $0x2, s5;
	s6 =	sor.u32 s7, s6;
	_ =	strace $0x80000047  }
0x7: {  	s31 =	sshrl.u32 s5, $0x1;
	s7 =	simm.s32 $0x400;
	s3 =	sadd.s32 s6, s3  }
0x8: {  	s4 =	sadd.s32 s6, s4;
	s5 =	ssub.s32 s5, s31;
	s6 =	simm.s32 $0x200  }
0x9: {  	s3 =	sadd.s32 $0xE0000, s3;
	s4 =	sadd.s32 $0x400, s4;
	s5 =	smax.u32 s5, $0x1  }
.LBB2_1:
0xa: {  	[tilespmem:s2], [sflag:$0x1] =	stream.strided.gather [hbm4b:s3+s6], $0x8000, s7, s6, $0x38;
	[tilespmem:$0x8000] =	vst v63  }
0xb: {  	_ =	swait.ge [sflag:s8], $0x8000  }
0xc: {  	s10 =	sand.u32 $0x70, s2;
	s11 =	sand.u32 $0x7E00, s2;
	[sflag:s8] =	ssyncset.done $0x0  }
0xd: {  	s13 =	sor.u32 s10, s11;
	[sflag:s8] =	ssyncadd.s32 $0xFFFF8000  }
0xe: {  	v0 =	vld [tilespmem:s13+$0x0]  }
0xf: {  	v1 =	vld [tilespmem:s13+$0x180];
	_ =	sdelay $0x3  }
0x10: {  	(xrf2) =	vadd.scan.msk.f32 $0xffff, v0  }
0x11: {  	v0 =	vld [tilespmem:s13+$0x100];
	(xrf2) =	vadd.scan.msk.f32 $0xffff, v1;
	_ =	sdelay $0x1  }
0x12: {  	v2 =	vld [tilespmem:s13+$0x80];
	_ =	sdelay $0x2  }
0x13: {  	(xrf2) =	vadd.scan.msk.f32 $0xffff, v0;
	_ =	sdelay $0x1  }
0x14: {  	(xrf2) =	vadd.scan.msk.f32 $0xffff, v2;
	_ =	sdelay $0x1  }
0x15: {  	s11 =	simm.f32 $0.0e+00;
	v0, _, _ =	vpop (xrf2)  }
0x16: {  	s31 =	simm.s32 $0x10;
	s12 =	simm.s32 $0x40;
	v1 =	vadd.f32 s11, v0;
	v2, _, _ =	vpop (xrf2)  }
0x17: {  	s10 =	sand.u32 $0x70, s31;
	s14 =	sand.u32 $0x7E00, s12;
	(v2sf) =	vpush v0, $0xF;
	v3 =	vadd.f32 s11, v2  }
0x18: {  	s10 =	sor.u32 s10, s14;
	[tilespmem:s13+$0x0] =	vst v1  }
0x19: {  	(v2sf) =	vpush v2, $0xF;
	v1 =	vld [tilespmem:s10+$0x0];
	_ =	sdelay $0x1  }
0x1a: {  	[tilespmem:s13+$0x180] =	vst v3;
	v3, _, _ =	vpop (xrf2)  }
0x1b: {  	v4 =	vld [tilespmem:s10+$0x180];
	v5 =	vadd.f32 s11, v3  }
0x1c: {  	v6, _, _ =	vpop (xrf2);
	(v2sf) =	vpush v3, $0xF  }
0x1d: {  	v7 =	vadd.f32 s11, v6;
	(v2sf) =	vpush v6, $0xF;
	[tilespmem:s13+$0x100] =	vst v5;
	(xrf2) =	vadd.scan.msk.f32 $0xffff, v1  }
0x1e: {  	v0 =	vld [tilespmem:s10+$0x100]  }
0x1f: {  	s16 =	simm.s32 $0x20;
	[tilespmem:s13+$0x80] =	vst v7  }
0x20: {  	s15 =	simm.f32 $0.0e+00;
	s14 =	simm.f32 $0.0e+00;
	(xrf2) =	vadd.scan.msk.f32 $0xffff, v4;
	s13 =	simm.f32 $0.0e+00;
	v1 =	vld [tilespmem:s10+$0x80]  }
.LBB2_2:
0x21: {  	_ = 	snop  }
0x22: {  	p0 =	sne.s32 s16, $0x1FF0;
	s17 =	smov.u32 s16;
	s16 =	sadd.s32 $0x10, s16  }
0x23: {  	(xrf2) =	vadd.scan.msk.f32 $0xffff, v0;
	_ =	sdelay $0x1  }
0x24: {  	s18 =	spop (v2sf)  }
0x25: {  	(xrf2) =	vadd.scan.msk.f32 $0xffff, v1;
	s11 =	sadd.f32 s18, s11  }
0x26: {  	v0, _, _ =	vpop (xrf2);
	s18 =	spop (v2sf)  }
0x27: {  	s15 =	sadd.f32 s18, s15  }
0x28: {  	s12 =	sadd.s32 $0x40, s12  }
0x29: {  	s17 =	sand.u32 $0x70, s17;
	s18 =	sand.u32 $0x7E00, s12;
	v1 =	vadd.f32 s11, v0;
	v2, _, _ =	vpop (xrf2)  }
0x2a: {  	s17 =	sor.u32 s17, s18;
	(v2sf) =	vpush v0, $0xF;
	s18 =	spop (v2sf)  }
0x2b: {  	[tilespmem:s10+$0x0] =	vst v1;
	s14 =	sadd.f32 s18, s14;
	s18 =	spop (v2sf)  }
0x2c: {  	v1 =	vadd.f32 s15, v2;
	v0 =	vld [tilespmem:s17+$0x0];
	v3, _, _ =	vpop (xrf2);
	(v2sf) =	vpush v2, $0xF;
	s13 =	sadd.f32 s18, s13;
	_ =	sdelay $0x1  }
0x2d: {  	[tilespmem:s10+$0x180] =	vst v1  }
0x2e: {  	v1 =	vadd.f32 s14, v3;
	v2 =	vld [tilespmem:s17+$0x180];
	v4, _, _ =	vpop (xrf2)  }
.Ltmp0:
0x2f: {  	v5 =	vadd.f32 s13, v4;
	(v2sf) =	vpush v3, $0xF;
	(pc) =	sbr.rel @p0 .LBB2_2-.Ltmp0, $4  }
0x30: {  	(xrf2) =	vadd.scan.msk.f32 $0xffff, v0;
	[tilespmem:s10+$0x100] =	vst v1;
	(v2sf) =	vpush v4, $0xF  }
0x31: {  	v0 =	vld [tilespmem:s17+$0x100];
	[tilespmem:s10+$0x80] =	vst v5;
	s10 =	smov.u32 s17  }
0x32: {  	v1 =	vld [tilespmem:s10+$0x80]  }
0x33: {  	(xrf2) =	vadd.scan.msk.f32 $0xffff, v2  }
0x34: {  	_ =	sdelay $0x1  }
0x35: {  	(xrf2) =	vadd.scan.msk.f32 $0xffff, v0  }
0x36: {  	(xrf2) =	vadd.scan.msk.f32 $0xffff, v1;
	_ =	sdelay $0x6  }
0x37: {  	v60, _, _ =	vpop (xrf2)  }
0x38: {  	(v2sf) =	vpush v60, $0xF;
	v61, _, _ =	vpop (xrf2)  }
0x39: {  	(v2sf) =	vpush v61, $0xF;
	v2, _, _ =	vpop (xrf2)  }
0x3a: {  	v3, _, _ =	vpop (xrf2);
	(v2sf) =	vpush v2, $0xF  }
0x3b: {  	(v2sf) =	vpush v3, $0xF;
	_ =	sdelay $0x1  }
0x3c: {  	s12 =	spop (v2sf)  }
0x3d: {  	s11 =	sadd.f32 s12, s11;
	s24 =	spop (v2sf)  }
0x3e: {  	s12 =	sadd.f32 s24, s15;
	s25 =	spop (v2sf)  }
0x3f: {  	v0 =	vadd.f32 s11, v60;
	s26 =	spop (v2sf);
	s14 =	sadd.f32 s25, s14  }
0x40: {  	v1 =	vadd.f32 s12, v61;
	s11 =	sadd.f32 s26, s13  }
0x41: {  	[tilespmem:s10+$0x0] =	vst v0;
	v62 =	vadd.f32 s14, v2  }
0x42: {  	[tilespmem:s10+$0x180] =	vst v1;
	v63 =	vadd.f32 s11, v3  }
0x43: {  	[tilespmem:s10+$0x100] =	vst v62  }
0x44: {  	[tilespmem:s10+$0x80] =	vst v63  }
0x45: {  	[hbm4b:s4+s6] =	stream.strided.scatter [tilespmem:s2], [sflag:$0x1], $0x8000, s7, s6, $0x38;
	[tilespmem:$0x8000] =	vst v63  }
0x46: {  	s9 =	sadd.s32 $0x1, s9;
	s28 =	spop (v2sf)  }
0x47: {  	p0 =	sne.s32 s9, s5;
	s29 =	spop (v2sf)  }
.Ltmp1:
0x48: {  	s30 =	spop (v2sf);
	(pc) =	sbr.rel @p0 .LBB2_1-.Ltmp1, $4  }
0x49: {  	s31 =	spop (v2sf)  }
0x4a: {  	_ =	swait.ge [sflag:s8], $0x8000  }
0x4b: {  	[sflag:s8] =	ssyncset.done $0x0  }
0x4c: {  	[sflag:s8] =	ssyncadd.s32 $0xFFFF8000  }
0x4d: {  	_ =	sfence.sel $0x180000  }
0x4e: {  	[bflag:$0x0] =	sbarrier.arrive $0xFFFF  }
0x4f: {  	p0 =	sne.s32 s1, $0x0;
	_ =	strace $0x90000047  }
0x50: {  	s0 =	sadd.s32 @!p0 $0x100000, s0;
	[bflag:$0x2] =	sbarrier.arrive $0xFFFF  }
0x51: {  	[sflag:s0] =	ssyncadd.tile.s32 @!p0 $0x1;
	_ =	shalt  }
.Lfunc_end2:
_tile_overlayer_lowered:
.L_overlay_start_2:
0x52: {  	(tag) =	ssettag $0x2  }
0x53: {  	s0 =	rddreg [dreg:$0x0];
	s2 =	stileid.u32  }
0x54: {  	s1 =	rddreg [dreg:$0x1];
	p0 =	sne.s32 s2, $0x0  }
0x55: {  	s3 =	rddreg [dreg:$0x2];
	[bflag:$0x3] =	sbarrier.arrive $0xFFFF;
	s2 =	simm.s32 @!p0 $0x1C01  }
0x56: {  	[timem:s3], [sflag:s2] =	dma.local @!p0 [hbm:s0], s1  }
0x57: {  	s0 =	simm.s32 @!p0 $0x1  }
0x58: {  	_ =	swait.ge @!p0 [sflag:s0], s1  }
0x59: {  	s1 =	ssub.s32 @!p0 $0x0, s1;
	[sflag:s0] =	ssyncset.done @!p0 $0x0  }
0x5a: {  	[sflag:s0] =	ssyncadd.s32 @!p0 s1  }
0x5b: {  	[bflag:$0x3] =	sbarrier.arrive $0xFFFF  }
0x5c: {  	_ =	shalt  }

</sc_bundles>
